<compile_context>
chip_gen: v7x
topology: tpu7x:2x2x1
jax: 0.10.2.dev20260603
libtpu: 0.0.44.dev20260713+nightly
codegen_flags: <defaults>
</compile_context>

<pallas_src>
import functools

import jax
import jax.numpy as jnp
from jax import lax
from jax.experimental import pallas as pl
from jax.experimental.pallas import tpu as pltpu
from jax.experimental.pallas import tpu_sc as plsc

N_ATOMS = 1600000
N_SEG = 50000

NC = 2
NS = 16
NW = NC * NS

PER_TILE = N_ATOMS // NW
N_CHUNK = 5
CHUNK = PER_TILE // N_CHUNK
LSTRIDE = CHUNK // 16
ACC = 51200


def _sc_body(e_hbm, b_hbm, out_hbm, accum, ib0, vb0, ib1, vb1, s0, s1, s2, s3):
    c = lax.axis_index("c")
    s = lax.axis_index("s")
    wid = s * NC + c
    base = wid * PER_TILE

    ibufs = (ib0, ib1)
    vbufs = (vb0, vb1)
    bsems = (s0, s1)
    vsems = (s2, s3)

    def start(k, slot):
        off = base + k * CHUNK
        cb = pltpu.async_copy(b_hbm.at[pl.ds(off, CHUNK)], ibufs[slot], bsems[slot])
        ce = pltpu.async_copy(e_hbm.at[pl.ds(off, CHUNK)], vbufs[slot], vsems[slot])
        return (cb, ce)

    descs = [None, None]
    descs[0] = start(0, 0)

    def _zero(i, carry):
        for u in range(8):
            accum[pl.ds((i * 8 + u) * 16, 16)] = jnp.zeros((16,), jnp.float32)
        return carry

    lax.fori_loop(0, ACC // 128, _zero, 0)

    lane_off = lax.broadcasted_iota(jnp.int32, (16,), 0) * LSTRIDE

    for k in range(N_CHUNK):
        slot = k % 2
        if k + 1 < N_CHUNK:
            descs[(k + 1) % 2] = start(k + 1, (k + 1) % 2)
        descs[slot][0].wait()
        descs[slot][1].wait()
        ib = ibufs[slot]
        vb = vbufs[slot]

        @plsc.parallel_loop(0, LSTRIDE, unroll=5)
        def _acc(i):
            off = lane_off + i
            bvec = plsc.load_gather(ib, [off])
            evec = plsc.load_gather(vb, [off])
            plsc.addupdate_scatter(accum, [bvec], evec)

    pltpu.sync_copy(accum, out_hbm.at[wid])


_sc_kernel = functools.partial(
    pl.kernel,
    out_type=jax.ShapeDtypeStruct((NW, ACC), jnp.float32),
    mesh=plsc.VectorSubcoreMesh(
        core_axis_name="c", subcore_axis_name="s", num_cores=NC, num_subcores=NS
    ),
    scratch_types=[
        pltpu.VMEM((ACC,), jnp.float32),
        pltpu.VMEM((CHUNK,), jnp.int32),
        pltpu.VMEM((CHUNK,), jnp.float32),
        pltpu.VMEM((CHUNK,), jnp.int32),
        pltpu.VMEM((CHUNK,), jnp.float32),
        pltpu.SemaphoreType.DMA,
        pltpu.SemaphoreType.DMA,
        pltpu.SemaphoreType.DMA,
        pltpu.SemaphoreType.DMA,
    ],
    compiler_params=pltpu.CompilerParams(needs_layout_passes=False),
)(_sc_body)


def _tc_reduce(x_ref, o_ref):
    o_ref[...] = jnp.sum(x_ref[...], axis=0)


@jax.jit
def kernel(energy, batch):
    partials = _sc_kernel(energy, batch)
    out = pl.pallas_call(
        _tc_reduce,
        grid=(10,),
        in_specs=[pl.BlockSpec((NW, ACC // 10), lambda j: (0, j))],
        out_specs=pl.BlockSpec((ACC // 10,), lambda j: (j,)),
        out_shape=jax.ShapeDtypeStruct((ACC,), jnp.float32),
    )(partials)
    return out[:N_SEG]

# --- scband reference (transcript-rebuilt; emitter-appended) ---
"""Pipeline reference for scband-energy-aggregator-56332791054758 (READ-ONLY COPY).

The authoritative reference and input builder live on the scoring server;
editing this copy changes nothing except your own understanding.
"""

import jax, jax.numpy as jnp
import numpy as np

NUM_ATOMS = 1600000
NUM_SEGMENTS = 50000


def setup_inputs(seed: int = 0) -> dict:
    key = jax.random.key(seed)
    k1, k2 = jax.random.split(key)
    # per-atom short-range energies
    energy = jax.random.normal(k1, (NUM_ATOMS,), dtype=jnp.float32)
    # batch index mapping each atom to its structure; sorted, values in [0, NUM_SEGMENTS)
    batch = jnp.sort(jax.random.randint(k2, (NUM_ATOMS,), 0, NUM_SEGMENTS, dtype=jnp.int32))
    return {"energy": energy, "batch": batch}


def reference(energy, batch):
    # EnergyAggregator.forward, no-charge branch:
    #   energy = scatter(energy, outputs.batch, dim=0, reduce='sum').reshape(-1)
    # torch_scatter's scatter(..., reduce='sum') == segment_sum over batch ids.
    energy_sr = jax.ops.segment_sum(energy, batch, num_segments=NUM_SEGMENTS)
    return energy_sr.reshape(-1)

if __name__ == "__main__":
    import jax
    _d = setup_inputs()
    print(jax.jit(kernel)(*tuple(_d.values())))

</pallas_src>

<mosaic_0001>
#map = affine_map<(d0, d1) -> (0)>
#map1 = affine_map<(d0, d1) -> (0, 0)>
module attributes {stable_mosaic.version = 14 : i64} {
  func.func @_sc_body(%arg0: i32, %arg1: i32, %arg2: memref<1600000xf32, #tpu.memory_space<hbm>>, %arg3: memref<1600000xi32, #tpu.memory_space<hbm>>, %arg4: memref<32x51200xf32, #tpu.memory_space<hbm>>, %arg5: memref<51200xf32, #tpu.memory_space<vmem>>, %arg6: memref<10000xi32, #tpu.memory_space<vmem>>, %arg7: memref<10000xf32, #tpu.memory_space<vmem>>, %arg8: memref<10000xi32, #tpu.memory_space<vmem>>, %arg9: memref<10000xf32, #tpu.memory_space<vmem>>, %arg10: memref<!tpu.dma_semaphore, #tpu.memory_space<semaphore_mem>>, %arg11: memref<!tpu.dma_semaphore, #tpu.memory_space<semaphore_mem>>, %arg12: memref<!tpu.dma_semaphore, #tpu.memory_space<semaphore_mem>>, %arg13: memref<!tpu.dma_semaphore, #tpu.memory_space<semaphore_mem>>) attributes {dimension_semantics = [#tpu.dimension_semantics<core_parallel>, #tpu.dimension_semantics<subcore_parallel>], iteration_bounds = array<i64: 2, 16>, scalar_prefetch = 0 : i64, scratch_operands = 9 : i64, tpu.core_type = #tpu.core_type<sc_vector_subcore>, window_params = [{transform_indices = #map}, {transform_indices = #map}, {transform_indices = #map1}]} {
    %mul3A = arith.constant 2 : i32
    %mul3A_0 = arith.muli %arg1, %mul3A : i32
    %add3A = arith.addi %mul3A_0, %arg0 : i32
    %mul3A_1 = arith.constant 50000 : i32
    %mul3A_2 = arith.muli %add3A, %mul3A_1 : i32
    %add3A_3 = arith.constant 0 : i32
    %add3A_4 = arith.addi %mul3A_2, %add3A_3 : i32
    %dma_start3A = tpu.memref_slice %arg3[%add3A_4] : memref<1600000xi32, #tpu.memory_space<hbm>> -> memref<10000xi32, #tpu.memory_space<hbm>>
    %dma_start3A_5 = tpu.memref_slice %arg3[%add3A_4] : memref<1600000xi32, #tpu.memory_space<hbm>> -> memref<10000xi32, #tpu.memory_space<hbm>>
    tpu.enqueue_dma source(%dma_start3A_5 : memref<10000xi32, #tpu.memory_space<hbm>>) target(%arg6 : memref<10000xi32, #tpu.memory_space<vmem>>) target_semaphore(%arg10 : memref<!tpu.dma_semaphore, #tpu.memory_space<semaphore_mem>>)
    %dma_start3A_6 = tpu.memref_slice %arg2[%add3A_4] : memref<1600000xf32, #tpu.memory_space<hbm>> -> memref<10000xf32, #tpu.memory_space<hbm>>
    %dma_start3A_7 = tpu.memref_slice %arg2[%add3A_4] : memref<1600000xf32, #tpu.memory_space<hbm>> -> memref<10000xf32, #tpu.memory_space<hbm>>
    tpu.enqueue_dma source(%dma_start3A_7 : memref<10000xf32, #tpu.memory_space<hbm>>) target(%arg7 : memref<10000xf32, #tpu.memory_space<vmem>>) target_semaphore(%arg12 : memref<!tpu.dma_semaphore, #tpu.memory_space<semaphore_mem>>)
    %scan3A = arith.constant 0 : i32
    %scan3A_8 = arith.constant 0 : i32
    %scan3A_9 = arith.constant 400 : i32
    %scan3A_10 = arith.addi %scan3A_8, %scan3A_9 : i32
    %scan3A_11 = arith.constant 1 : i32
    scf.for %scan3A_73 = %scan3A_8 to %scan3A_10 step %scan3A_11  : i32 {
      %broadcast_in_dim3A = arith.constant 0.000000e+00 : f32
      %broadcast_in_dim3A_74 = vector.broadcast %broadcast_in_dim3A : f32 to vector<16xf32>
      %mul3A_75 = arith.constant 8 : i32
      %mul3A_76 = arith.muli %scan3A_73, %mul3A_75 : i32
      %add3A_77 = arith.constant 0 : i32
      %add3A_78 = arith.addi %mul3A_76, %add3A_77 : i32
      %mul3A_79 = arith.constant 16 : i32
      %mul3A_80 = arith.muli %add3A_78, %mul3A_79 : i32
      %swap3A = arith.index_cast %mul3A_80 : i32 to index
      %swap3A_81 = tpu.vector_load %arg5[%swap3A] {strides = array<i32>} : memref<51200xf32, #tpu.memory_space<vmem>>, vector<16xf32>,
      tpu.vector_store %arg5[%swap3A], %broadcast_in_dim3A_74 {strides = array<i32>} : memref<51200xf32, #tpu.memory_space<vmem>>, vector<16xf32>,
      %broadcast_in_dim3A_82 = arith.constant 0.000000e+00 : f32
      %broadcast_in_dim3A_83 = vector.broadcast %broadcast_in_dim3A_82 : f32 to vector<16xf32>
      %mul3A_84 = arith.constant 8 : i32
      %mul3A_85 = arith.muli %scan3A_73, %mul3A_84 : i32
      %add3A_86 = arith.constant 1 : i32
      %add3A_87 = arith.addi %mul3A_85, %add3A_86 : i32
      %mul3A_88 = arith.constant 16 : i32
      %mul3A_89 = arith.muli %add3A_87, %mul3A_88 : i32
      %swap3A_90 = arith.index_cast %mul3A_89 : i32 to index
      %swap3A_91 = tpu.vector_load %arg5[%swap3A_90] {strides = array<i32>} : memref<51200xf32, #tpu.memory_space<vmem>>, vector<16xf32>,
      tpu.vector_store %arg5[%swap3A_90], %broadcast_in_dim3A_83 {strides = array<i32>} : memref<51200xf32, #tpu.memory_space<vmem>>, vector<16xf32>,
      %broadcast_in_dim3A_92 = arith.constant 0.000000e+00 : f32
      %broadcast_in_dim3A_93 = vector.broadcast %broadcast_in_dim3A_92 : f32 to vector<16xf32>
      %mul3A_94 = arith.constant 8 : i32
      %mul3A_95 = arith.muli %scan3A_73, %mul3A_94 : i32
      %add3A_96 = arith.constant 2 : i32
      %add3A_97 = arith.addi %mul3A_95, %add3A_96 : i32
      %mul3A_98 = arith.constant 16 : i32
      %mul3A_99 = arith.muli %add3A_97, %mul3A_98 : i32
      %swap3A_100 = arith.index_cast %mul3A_99 : i32 to index
      %swap3A_101 = tpu.vector_load %arg5[%swap3A_100] {strides = array<i32>} : memref<51200xf32, #tpu.memory_space<vmem>>, vector<16xf32>,
      tpu.vector_store %arg5[%swap3A_100], %broadcast_in_dim3A_93 {strides = array<i32>} : memref<51200xf32, #tpu.memory_space<vmem>>, vector<16xf32>,
      %broadcast_in_dim3A_102 = arith.constant 0.000000e+00 : f32
      %broadcast_in_dim3A_103 = vector.broadcast %broadcast_in_dim3A_102 : f32 to vector<16xf32>
      %mul3A_104 = arith.constant 8 : i32
      %mul3A_105 = arith.muli %scan3A_73, %mul3A_104 : i32
      %add3A_106 = arith.constant 3 : i32
      %add3A_107 = arith.addi %mul3A_105, %add3A_106 : i32
      %mul3A_108 = arith.constant 16 : i32
      %mul3A_109 = arith.muli %add3A_107, %mul3A_108 : i32
      %swap3A_110 = arith.index_cast %mul3A_109 : i32 to index
      %swap3A_111 = tpu.vector_load %arg5[%swap3A_110] {strides = array<i32>} : memref<51200xf32, #tpu.memory_space<vmem>>, vector<16xf32>,
      tpu.vector_store %arg5[%swap3A_110], %broadcast_in_dim3A_103 {strides = array<i32>} : memref<51200xf32, #tpu.memory_space<vmem>>, vector<16xf32>,
      %broadcast_in_dim3A_112 = arith.constant 0.000000e+00 : f32
      %broadcast_in_dim3A_113 = vector.broadcast %broadcast_in_dim3A_112 : f32 to vector<16xf32>
      %mul3A_114 = arith.constant 8 : i32
      %mul3A_115 = arith.muli %scan3A_73, %mul3A_114 : i32
      %add3A_116 = arith.constant 4 : i32
      %add3A_117 = arith.addi %mul3A_115, %add3A_116 : i32
      %mul3A_118 = arith.constant 16 : i32
      %mul3A_119 = arith.muli %add3A_117, %mul3A_118 : i32
      %swap3A_120 = arith.index_cast %mul3A_119 : i32 to index
      %swap3A_121 = tpu.vector_load %arg5[%swap3A_120] {strides = array<i32>} : memref<51200xf32, #tpu.memory_space<vmem>>, vector<16xf32>,
      tpu.vector_store %arg5[%swap3A_120], %broadcast_in_dim3A_113 {strides = array<i32>} : memref<51200xf32, #tpu.memory_space<vmem>>, vector<16xf32>,
      %broadcast_in_dim3A_122 = arith.constant 0.000000e+00 : f32
      %broadcast_in_dim3A_123 = vector.broadcast %broadcast_in_dim3A_122 : f32 to vector<16xf32>
      %mul3A_124 = arith.constant 8 : i32
      %mul3A_125 = arith.muli %scan3A_73, %mul3A_124 : i32
      %add3A_126 = arith.constant 5 : i32
      %add3A_127 = arith.addi %mul3A_125, %add3A_126 : i32
      %mul3A_128 = arith.constant 16 : i32
      %mul3A_129 = arith.muli %add3A_127, %mul3A_128 : i32
      %swap3A_130 = arith.index_cast %mul3A_129 : i32 to index
      %swap3A_131 = tpu.vector_load %arg5[%swap3A_130] {strides = array<i32>} : memref<51200xf32, #tpu.memory_space<vmem>>, vector<16xf32>,
      tpu.vector_store %arg5[%swap3A_130], %broadcast_in_dim3A_123 {strides = array<i32>} : memref<51200xf32, #tpu.memory_space<vmem>>, vector<16xf32>,
      %broadcast_in_dim3A_132 = arith.constant 0.000000e+00 : f32
      %broadcast_in_dim3A_133 = vector.broadcast %broadcast_in_dim3A_132 : f32 to vector<16xf32>
      %mul3A_134 = arith.constant 8 : i32
      %mul3A_135 = arith.muli %scan3A_73, %mul3A_134 : i32
      %add3A_136 = arith.constant 6 : i32
      %add3A_137 = arith.addi %mul3A_135, %add3A_136 : i32
      %mul3A_138 = arith.constant 16 : i32
      %mul3A_139 = arith.muli %add3A_137, %mul3A_138 : i32
      %swap3A_140 = arith.index_cast %mul3A_139 : i32 to index
      %swap3A_141 = tpu.vector_load %arg5[%swap3A_140] {strides = array<i32>} : memref<51200xf32, #tpu.memory_space<vmem>>, vector<16xf32>,
      tpu.vector_store %arg5[%swap3A_140], %broadcast_in_dim3A_133 {strides = array<i32>} : memref<51200xf32, #tpu.memory_space<vmem>>, vector<16xf32>,
      %broadcast_in_dim3A_142 = arith.constant 0.000000e+00 : f32
      %broadcast_in_dim3A_143 = vector.broadcast %broadcast_in_dim3A_142 : f32 to vector<16xf32>
      %mul3A_144 = arith.constant 8 : i32
      %mul3A_145 = arith.muli %scan3A_73, %mul3A_144 : i32
      %add3A_146 = arith.constant 7 : i32
      %add3A_147 = arith.addi %mul3A_145, %add3A_146 : i32
      %mul3A_148 = arith.constant 16 : i32
      %mul3A_149 = arith.muli %add3A_147, %mul3A_148 : i32
      %swap3A_150 = arith.index_cast %mul3A_149 : i32 to index
      %swap3A_151 = tpu.vector_load %arg5[%swap3A_150] {strides = array<i32>} : memref<51200xf32, #tpu.memory_space<vmem>>, vector<16xf32>,
      tpu.vector_store %arg5[%swap3A_150], %broadcast_in_dim3A_143 {strides = array<i32>} : memref<51200xf32, #tpu.memory_space<vmem>>, vector<16xf32>,
    }
    %scan3A_12 = arith.constant 400 : i32
    %iota3A = tpu.iota {dimensions = array<i32: 0>} : vector<16xi32>
    %mul3A_13 = arith.constant 625 : i32
    %mul3A_14 = vector.broadcast %mul3A_13 : i32 to vector<16xi32>
    %mul3A_15 = arith.muli %iota3A, %mul3A_14 : vector<16xi32>
    %add3A_16 = arith.constant 10000 : i32
    %add3A_17 = arith.addi %mul3A_2, %add3A_16 : i32
    %dma_start3A_18 = tpu.memref_slice %arg3[%add3A_17] : memref<1600000xi32, #tpu.memory_space<hbm>> -> memref<10000xi32, #tpu.memory_space<hbm>>
    %dma_start3A_19 = tpu.memref_slice %arg3[%add3A_17] : memref<1600000xi32, #tpu.memory_space<hbm>> -> memref<10000xi32, #tpu.memory_space<hbm>>
    tpu.enqueue_dma source(%dma_start3A_19 : memref<10000xi32, #tpu.memory_space<hbm>>) target(%arg8 : memref<10000xi32, #tpu.memory_space<vmem>>) target_semaphore(%arg11 : memref<!tpu.dma_semaphore, #tpu.memory_space<semaphore_mem>>)
    %dma_start3A_20 = tpu.memref_slice %arg2[%add3A_17] : memref<1600000xf32, #tpu.memory_space<hbm>> -> memref<10000xf32, #tpu.memory_space<hbm>>
    %dma_start3A_21 = tpu.memref_slice %arg2[%add3A_17] : memref<1600000xf32, #tpu.memory_space<hbm>> -> memref<10000xf32, #tpu.memory_space<hbm>>
    tpu.enqueue_dma source(%dma_start3A_21 : memref<10000xf32, #tpu.memory_space<hbm>>) target(%arg9 : memref<10000xf32, #tpu.memory_space<vmem>>) target_semaphore(%arg13 : memref<!tpu.dma_semaphore, #tpu.memory_space<semaphore_mem>>)
    %dma_wait3A = tpu.memref_slice %arg3[%add3A_4] : memref<1600000xi32, #tpu.memory_space<hbm>> -> memref<10000xi32, #tpu.memory_space<hbm>>
    %dma_wait3A_22 = tpu.memref_slice %arg3[%add3A_4] : memref<1600000xi32, #tpu.memory_space<hbm>> -> memref<10000xi32, #tpu.memory_space<hbm>>
    tpu.wait_dma2 semaphore(%arg10 : memref<!tpu.dma_semaphore, #tpu.memory_space<semaphore_mem>>) src(%dma_wait3A_22 : memref<10000xi32, #tpu.memory_space<hbm>>) dst(%arg6 : memref<10000xi32, #tpu.memory_space<vmem>>)
    %dma_wait3A_23 = tpu.memref_slice %arg2[%add3A_4] : memref<1600000xf32, #tpu.memory_space<hbm>> -> memref<10000xf32, #tpu.memory_space<hbm>>
    %dma_wait3A_24 = tpu.memref_slice %arg2[%add3A_4] : memref<1600000xf32, #tpu.memory_space<hbm>> -> memref<10000xf32, #tpu.memory_space<hbm>>
    tpu.wait_dma2 semaphore(%arg12 : memref<!tpu.dma_semaphore, #tpu.memory_space<semaphore_mem>>) src(%dma_wait3A_24 : memref<10000xf32, #tpu.memory_space<hbm>>) dst(%arg7 : memref<10000xf32, #tpu.memory_space<vmem>>)
    %parallel_loop3A = arith.constant 0 : i32
    %parallel_loop3A_25 = arith.constant 625 : i32
    %parallel_loop3A_26 = arith.constant 1 : i32
    scf.for %parallel_loop3A_73 = %parallel_loop3A to %parallel_loop3A_25 step %parallel_loop3A_26  : i32 {
      %parallel_loop3A_74 = vector.broadcast %parallel_loop3A_73 : i32 to vector<16xi32>
      %parallel_loop3A_75 = arith.addi %mul3A_15, %parallel_loop3A_74 : vector<16xi32>
      %parallel_loop3A_76 = tpu.vector_load_idx %arg6[%parallel_loop3A_75] : memref<10000xi32, #tpu.memory_space<vmem>>[vector<16xi32>], vector<16xi32>,
      %parallel_loop3A_77 = tpu.vector_load_idx %arg7[%parallel_loop3A_75] : memref<10000xf32, #tpu.memory_space<vmem>>[vector<16xi32>], vector<16xf32>,
      tpu.vector_store_idx %arg5[%parallel_loop3A_76], %parallel_loop3A_77 {add = true} : memref<51200xf32, #tpu.memory_space<vmem>>[vector<16xi32>], vector<16xf32>,
    } {sc.loop_unroll_factor = 5 : i64, sc.parallel_access}
    %add3A_27 = arith.constant 20000 : i32
    %add3A_28 = arith.addi %mul3A_2, %add3A_27 : i32
    %dma_start3A_29 = tpu.memref_slice %arg3[%add3A_28] : memref<1600000xi32, #tpu.memory_space<hbm>> -> memref<10000xi32, #tpu.memory_space<hbm>>
    %dma_start3A_30 = tpu.memref_slice %arg3[%add3A_28] : memref<1600000xi32, #tpu.memory_space<hbm>> -> memref<10000xi32, #tpu.memory_space<hbm>>
    tpu.enqueue_dma source(%dma_start3A_30 : memref<10000xi32, #tpu.memory_space<hbm>>) target(%arg6 : memref<10000xi32, #tpu.memory_space<vmem>>) target_semaphore(%arg10 : memref<!tpu.dma_semaphore, #tpu.memory_space<semaphore_mem>>)
    %dma_start3A_31 = tpu.memref_slice %arg2[%add3A_28] : memref<1600000xf32, #tpu.memory_space<hbm>> -> memref<10000xf32, #tpu.memory_space<hbm>>
    %dma_start3A_32 = tpu.memref_slice %arg2[%add3A_28] : memref<1600000xf32, #tpu.memory_space<hbm>> -> memref<10000xf32, #tpu.memory_space<hbm>>
    tpu.enqueue_dma source(%dma_start3A_32 : memref<10000xf32, #tpu.memory_space<hbm>>) target(%arg7 : memref<10000xf32, #tpu.memory_space<vmem>>) target_semaphore(%arg12 : memref<!tpu.dma_semaphore, #tpu.memory_space<semaphore_mem>>)
    %dma_wait3A_33 = tpu.memref_slice %arg3[%add3A_17] : memref<1600000xi32, #tpu.memory_space<hbm>> -> memref<10000xi32, #tpu.memory_space<hbm>>
    %dma_wait3A_34 = tpu.memref_slice %arg3[%add3A_17] : memref<1600000xi32, #tpu.memory_space<hbm>> -> memref<10000xi32, #tpu.memory_space<hbm>>
    tpu.wait_dma2 semaphore(%arg11 : memref<!tpu.dma_semaphore, #tpu.memory_space<semaphore_mem>>) src(%dma_wait3A_34 : memref<10000xi32, #tpu.memory_space<hbm>>) dst(%arg8 : memref<10000xi32, #tpu.memory_space<vmem>>)
    %dma_wait3A_35 = tpu.memref_slice %arg2[%add3A_17] : memref<1600000xf32, #tpu.memory_space<hbm>> -> memref<10000xf32, #tpu.memory_space<hbm>>
    %dma_wait3A_36 = tpu.memref_slice %arg2[%add3A_17] : memref<1600000xf32, #tpu.memory_space<hbm>> -> memref<10000xf32, #tpu.memory_space<hbm>>
    tpu.wait_dma2 semaphore(%arg13 : memref<!tpu.dma_semaphore, #tpu.memory_space<semaphore_mem>>) src(%dma_wait3A_36 : memref<10000xf32, #tpu.memory_space<hbm>>) dst(%arg9 : memref<10000xf32, #tpu.memory_space<vmem>>)
    %parallel_loop3A_37 = arith.constant 0 : i32
    %parallel_loop3A_38 = arith.constant 625 : i32
    %parallel_loop3A_39 = arith.constant 1 : i32
    scf.for %parallel_loop3A_73 = %parallel_loop3A_37 to %parallel_loop3A_38 step %parallel_loop3A_39  : i32 {
      %parallel_loop3A_74 = vector.broadcast %parallel_loop3A_73 : i32 to vector<16xi32>
      %parallel_loop3A_75 = arith.addi %mul3A_15, %parallel_loop3A_74 : vector<16xi32>
      %parallel_loop3A_76 = tpu.vector_load_idx %arg8[%parallel_loop3A_75] : memref<10000xi32, #tpu.memory_space<vmem>>[vector<16xi32>], vector<16xi32>,
      %parallel_loop3A_77 = tpu.vector_load_idx %arg9[%parallel_loop3A_75] : memref<10000xf32, #tpu.memory_space<vmem>>[vector<16xi32>], vector<16xf32>,
      tpu.vector_store_idx %arg5[%parallel_loop3A_76], %parallel_loop3A_77 {add = true} : memref<51200xf32, #tpu.memory_space<vmem>>[vector<16xi32>], vector<16xf32>,
    } {sc.loop_unroll_factor = 5 : i64, sc.parallel_access}
    %add3A_40 = arith.constant 30000 : i32
    %add3A_41 = arith.addi %mul3A_2, %add3A_40 : i32
    %dma_start3A_42 = tpu.memref_slice %arg3[%add3A_41] : memref<1600000xi32, #tpu.memory_space<hbm>> -> memref<10000xi32, #tpu.memory_space<hbm>>
    %dma_start3A_43 = tpu.memref_slice %arg3[%add3A_41] : memref<1600000xi32, #tpu.memory_space<hbm>> -> memref<10000xi32, #tpu.memory_space<hbm>>
    tpu.enqueue_dma source(%dma_start3A_43 : memref<10000xi32, #tpu.memory_space<hbm>>) target(%arg8 : memref<10000xi32, #tpu.memory_space<vmem>>) target_semaphore(%arg11 : memref<!tpu.dma_semaphore, #tpu.memory_space<semaphore_mem>>)
    %dma_start3A_44 = tpu.memref_slice %arg2[%add3A_41] : memref<1600000xf32, #tpu.memory_space<hbm>> -> memref<10000xf32, #tpu.memory_space<hbm>>
    %dma_start3A_45 = tpu.memref_slice %arg2[%add3A_41] : memref<1600000xf32, #tpu.memory_space<hbm>> -> memref<10000xf32, #tpu.memory_space<hbm>>
    tpu.enqueue_dma source(%dma_start3A_45 : memref<10000xf32, #tpu.memory_space<hbm>>) target(%arg9 : memref<10000xf32, #tpu.memory_space<vmem>>) target_semaphore(%arg13 : memref<!tpu.dma_semaphore, #tpu.memory_space<semaphore_mem>>)
    %dma_wait3A_46 = tpu.memref_slice %arg3[%add3A_28] : memref<1600000xi32, #tpu.memory_space<hbm>> -> memref<10000xi32, #tpu.memory_space<hbm>>
    %dma_wait3A_47 = tpu.memref_slice %arg3[%add3A_28] : memref<1600000xi32, #tpu.memory_space<hbm>> -> memref<10000xi32, #tpu.memory_space<hbm>>
    tpu.wait_dma2 semaphore(%arg10 : memref<!tpu.dma_semaphore, #tpu.memory_space<semaphore_mem>>) src(%dma_wait3A_47 : memref<10000xi32, #tpu.memory_space<hbm>>) dst(%arg6 : memref<10000xi32, #tpu.memory_space<vmem>>)
    %dma_wait3A_48 = tpu.memref_slice %arg2[%add3A_28] : memref<1600000xf32, #tpu.memory_space<hbm>> -> memref<10000xf32, #tpu.memory_space<hbm>>
    %dma_wait3A_49 = tpu.memref_slice %arg2[%add3A_28] : memref<1600000xf32, #tpu.memory_space<hbm>> -> memref<10000xf32, #tpu.memory_space<hbm>>
    tpu.wait_dma2 semaphore(%arg12 : memref<!tpu.dma_semaphore, #tpu.memory_space<semaphore_mem>>) src(%dma_wait3A_49 : memref<10000xf32, #tpu.memory_space<hbm>>) dst(%arg7 : memref<10000xf32, #tpu.memory_space<vmem>>)
    %parallel_loop3A_50 = arith.constant 0 : i32
    %parallel_loop3A_51 = arith.constant 625 : i32
    %parallel_loop3A_52 = arith.constant 1 : i32
    scf.for %parallel_loop3A_73 = %parallel_loop3A_50 to %parallel_loop3A_51 step %parallel_loop3A_52  : i32 {
      %parallel_loop3A_74 = vector.broadcast %parallel_loop3A_73 : i32 to vector<16xi32>
      %parallel_loop3A_75 = arith.addi %mul3A_15, %parallel_loop3A_74 : vector<16xi32>
      %parallel_loop3A_76 = tpu.vector_load_idx %arg6[%parallel_loop3A_75] : memref<10000xi32, #tpu.memory_space<vmem>>[vector<16xi32>], vector<16xi32>,
      %parallel_loop3A_77 = tpu.vector_load_idx %arg7[%parallel_loop3A_75] : memref<10000xf32, #tpu.memory_space<vmem>>[vector<16xi32>], vector<16xf32>,
      tpu.vector_store_idx %arg5[%parallel_loop3A_76], %parallel_loop3A_77 {add = true} : memref<51200xf32, #tpu.memory_space<vmem>>[vector<16xi32>], vector<16xf32>,
    } {sc.loop_unroll_factor = 5 : i64, sc.parallel_access}
    %add3A_53 = arith.constant 40000 : i32
    %add3A_54 = arith.addi %mul3A_2, %add3A_53 : i32
    %dma_start3A_55 = tpu.memref_slice %arg3[%add3A_54] : memref<1600000xi32, #tpu.memory_space<hbm>> -> memref<10000xi32, #tpu.memory_space<hbm>>
    %dma_start3A_56 = tpu.memref_slice %arg3[%add3A_54] : memref<1600000xi32, #tpu.memory_space<hbm>> -> memref<10000xi32, #tpu.memory_space<hbm>>
    tpu.enqueue_dma source(%dma_start3A_56 : memref<10000xi32, #tpu.memory_space<hbm>>) target(%arg6 : memref<10000xi32, #tpu.memory_space<vmem>>) target_semaphore(%arg10 : memref<!tpu.dma_semaphore, #tpu.memory_space<semaphore_mem>>)
    %dma_start3A_57 = tpu.memref_slice %arg2[%add3A_54] : memref<1600000xf32, #tpu.memory_space<hbm>> -> memref<10000xf32, #tpu.memory_space<hbm>>
    %dma_start3A_58 = tpu.memref_slice %arg2[%add3A_54] : memref<1600000xf32, #tpu.memory_space<hbm>> -> memref<10000xf32, #tpu.memory_space<hbm>>
    tpu.enqueue_dma source(%dma_start3A_58 : memref<10000xf32, #tpu.memory_space<hbm>>) target(%arg7 : memref<10000xf32, #tpu.memory_space<vmem>>) target_semaphore(%arg12 : memref<!tpu.dma_semaphore, #tpu.memory_space<semaphore_mem>>)
    %dma_wait3A_59 = tpu.memref_slice %arg3[%add3A_41] : memref<1600000xi32, #tpu.memory_space<hbm>> -> memref<10000xi32, #tpu.memory_space<hbm>>
    %dma_wait3A_60 = tpu.memref_slice %arg3[%add3A_41] : memref<1600000xi32, #tpu.memory_space<hbm>> -> memref<10000xi32, #tpu.memory_space<hbm>>
    tpu.wait_dma2 semaphore(%arg11 : memref<!tpu.dma_semaphore, #tpu.memory_space<semaphore_mem>>) src(%dma_wait3A_60 : memref<10000xi32, #tpu.memory_space<hbm>>) dst(%arg8 : memref<10000xi32, #tpu.memory_space<vmem>>)
    %dma_wait3A_61 = tpu.memref_slice %arg2[%add3A_41] : memref<1600000xf32, #tpu.memory_space<hbm>> -> memref<10000xf32, #tpu.memory_space<hbm>>
    %dma_wait3A_62 = tpu.memref_slice %arg2[%add3A_41] : memref<1600000xf32, #tpu.memory_space<hbm>> -> memref<10000xf32, #tpu.memory_space<hbm>>
    tpu.wait_dma2 semaphore(%arg13 : memref<!tpu.dma_semaphore, #tpu.memory_space<semaphore_mem>>) src(%dma_wait3A_62 : memref<10000xf32, #tpu.memory_space<hbm>>) dst(%arg9 : memref<10000xf32, #tpu.memory_space<vmem>>)
    %parallel_loop3A_63 = arith.constant 0 : i32
    %parallel_loop3A_64 = arith.constant 625 : i32
    %parallel_loop3A_65 = arith.constant 1 : i32
    scf.for %parallel_loop3A_73 = %parallel_loop3A_63 to %parallel_loop3A_64 step %parallel_loop3A_65  : i32 {
      %parallel_loop3A_74 = vector.broadcast %parallel_loop3A_73 : i32 to vector<16xi32>
      %parallel_loop3A_75 = arith.addi %mul3A_15, %parallel_loop3A_74 : vector<16xi32>
      %parallel_loop3A_76 = tpu.vector_load_idx %arg8[%parallel_loop3A_75] : memref<10000xi32, #tpu.memory_space<vmem>>[vector<16xi32>], vector<16xi32>,
      %parallel_loop3A_77 = tpu.vector_load_idx %arg9[%parallel_loop3A_75] : memref<10000xf32, #tpu.memory_space<vmem>>[vector<16xi32>], vector<16xf32>,
      tpu.vector_store_idx %arg5[%parallel_loop3A_76], %parallel_loop3A_77 {add = true} : memref<51200xf32, #tpu.memory_space<vmem>>[vector<16xi32>], vector<16xf32>,
    } {sc.loop_unroll_factor = 5 : i64, sc.parallel_access}
    %dma_wait3A_66 = tpu.memref_slice %arg3[%add3A_54] : memref<1600000xi32, #tpu.memory_space<hbm>> -> memref<10000xi32, #tpu.memory_space<hbm>>
    %dma_wait3A_67 = tpu.memref_slice %arg3[%add3A_54] : memref<1600000xi32, #tpu.memory_space<hbm>> -> memref<10000xi32, #tpu.memory_space<hbm>>
    tpu.wait_dma2 semaphore(%arg10 : memref<!tpu.dma_semaphore, #tpu.memory_space<semaphore_mem>>) src(%dma_wait3A_67 : memref<10000xi32, #tpu.memory_space<hbm>>) dst(%arg6 : memref<10000xi32, #tpu.memory_space<vmem>>)
    %dma_wait3A_68 = tpu.memref_slice %arg2[%add3A_54] : memref<1600000xf32, #tpu.memory_space<hbm>> -> memref<10000xf32, #tpu.memory_space<hbm>>
    %dma_wait3A_69 = tpu.memref_slice %arg2[%add3A_54] : memref<1600000xf32, #tpu.memory_space<hbm>> -> memref<10000xf32, #tpu.memory_space<hbm>>
    tpu.wait_dma2 semaphore(%arg12 : memref<!tpu.dma_semaphore, #tpu.memory_space<semaphore_mem>>) src(%dma_wait3A_69 : memref<10000xf32, #tpu.memory_space<hbm>>) dst(%arg7 : memref<10000xf32, #tpu.memory_space<vmem>>)
    %parallel_loop3A_70 = arith.constant 0 : i32
    %parallel_loop3A_71 = arith.constant 625 : i32
    %parallel_loop3A_72 = arith.constant 1 : i32
    scf.for %parallel_loop3A_73 = %parallel_loop3A_70 to %parallel_loop3A_71 step %parallel_loop3A_72  : i32 {
      %parallel_loop3A_74 = vector.broadcast %parallel_loop3A_73 : i32 to vector<16xi32>
      %parallel_loop3A_75 = arith.addi %mul3A_15, %parallel_loop3A_74 : vector<16xi32>
      %parallel_loop3A_76 = tpu.vector_load_idx %arg6[%parallel_loop3A_75] : memref<10000xi32, #tpu.memory_space<vmem>>[vector<16xi32>], vector<16xi32>,
      %parallel_loop3A_77 = tpu.vector_load_idx %arg7[%parallel_loop3A_75] : memref<10000xf32, #tpu.memory_space<vmem>>[vector<16xi32>], vector<16xf32>,
      tpu.vector_store_idx %arg5[%parallel_loop3A_76], %parallel_loop3A_77 {add = true} : memref<51200xf32, #tpu.memory_space<vmem>>[vector<16xi32>], vector<16xf32>,
    } {sc.loop_unroll_factor = 5 : i64, sc.parallel_access}
    "tpu.region"() ({
      %run_scoped3A = tpu.sem_alloc : memref<!tpu.dma_semaphore, #tpu.memory_space<semaphore_mem>>
      %dma_start3A_73 = arith.constant 0 : i32
      %dma_start3A_74 = tpu.memref_slice %arg4[%add3A, %dma_start3A_73] : memref<32x51200xf32, #tpu.memory_space<hbm>> -> memref<1x51200xf32, #tpu.memory_space<hbm>>
      %dma_start3A_75 = tpu.memref_squeeze %dma_start3A_74 : memref<1x51200xf32, #tpu.memory_space<hbm>> -> memref<51200xf32, #tpu.memory_space<hbm>>
      %dma_start3A_76 = arith.constant 0 : i32
      %dma_start3A_77 = tpu.memref_slice %arg4[%add3A, %dma_start3A_76] : memref<32x51200xf32, #tpu.memory_space<hbm>> -> memref<1x51200xf32, #tpu.memory_space<hbm>>
      %dma_start3A_78 = tpu.memref_squeeze %dma_start3A_77 : memref<1x51200xf32, #tpu.memory_space<hbm>> -> memref<51200xf32, #tpu.memory_space<hbm>>
      tpu.enqueue_dma source(%arg5 : memref<51200xf32, #tpu.memory_space<vmem>>) target(%dma_start3A_78 : memref<51200xf32, #tpu.memory_space<hbm>>) target_semaphore(%run_scoped3A : memref<!tpu.dma_semaphore, #tpu.memory_space<semaphore_mem>>)
      %dma_wait3A_79 = arith.constant 0 : i32
      %dma_wait3A_80 = tpu.memref_slice %arg4[%add3A, %dma_wait3A_79] : memref<32x51200xf32, #tpu.memory_space<hbm>> -> memref<1x51200xf32, #tpu.memory_space<hbm>>
      %dma_wait3A_81 = tpu.memref_squeeze %dma_wait3A_80 : memref<1x51200xf32, #tpu.memory_space<hbm>> -> memref<51200xf32, #tpu.memory_space<hbm>>
      %dma_wait3A_82 = arith.constant 0 : i32
      %dma_wait3A_83 = tpu.memref_slice %arg4[%add3A, %dma_wait3A_82] : memref<32x51200xf32, #tpu.memory_space<hbm>> -> memref<1x51200xf32, #tpu.memory_space<hbm>>
      %dma_wait3A_84 = tpu.memref_squeeze %dma_wait3A_83 : memref<1x51200xf32, #tpu.memory_space<hbm>> -> memref<51200xf32, #tpu.memory_space<hbm>>
      tpu.wait_dma2 semaphore(%run_scoped3A : memref<!tpu.dma_semaphore, #tpu.memory_space<semaphore_mem>>) src(%arg5 : memref<51200xf32, #tpu.memory_space<vmem>>) dst(%dma_wait3A_84 : memref<51200xf32, #tpu.memory_space<hbm>>)
      tpu.yield
    }) : () -> ()
    return
  }
}

module attributes {stable_mosaic.version = 14 : i64} {
  func.func @_tc_reduce(%arg0: i32, %arg1: memref<32x5120xf32, #tpu.memory_space<vmem>>, %arg2: memref<5120xf32, #tpu.memory_space<vmem>>) attributes {dimension_semantics = [#tpu.dimension_semantics<arbitrary>], iteration_bounds = array<i64: 10>, scalar_prefetch = 0 : i64, scratch_operands = 0 : i64, tpu.core_type = #tpu.core_type<tc>, window_params = [{transform_indices = @transform_0, window_bounds = array<i64: 32, 5120>}, {transform_indices = @transform_1, window_bounds = array<i64: 5120>}]} {
    %get3A = arith.constant 0 : index
    %get3A_0 = arith.constant 0 : index
    %get3A_1 = vector.load %arg1[%get3A, %get3A_0] : memref<32x5120xf32, #tpu.memory_space<vmem>>, vector<32x5120xf32>
    %reduce_sum3A = arith.constant dense<0.000000e+00> : vector<5120xf32>
    %reduce_sum3A_2 = vector.multi_reduction <add>, %get3A_1, %reduce_sum3A [0] : vector<32x5120xf32> to vector<5120xf32>
    %swap3A = arith.constant 0 : index
    %swap3A_3 = vector.load %arg2[%swap3A] : memref<5120xf32, #tpu.memory_space<vmem>>, vector<5120xf32>
    tpu.vector_store %arg2[%swap3A], %reduce_sum3A_2 {strides = array<i32>} : memref<5120xf32, #tpu.memory_space<vmem>>, vector<5120xf32>,
    return
  }
  func.func @transform_0(%arg0: i32) -> (i32, i32) {
    %c0_i32 = arith.constant 0 : i32
    %c0_i32_0 = arith.constant 0 : i32
    return %c0_i32, %arg0 : i32, i32
  }
  func.func @transform_1(%arg0: i32) -> i32 {
    %c0_i32 = arith.constant 0 : i32
    return %arg0 : i32
  }
}

</mosaic_0001>

<sc_bundles>
// kernel: kernel.4.cloned.1.call-start
scs
__scs_entry_jumppad:
0x0: {  	(pc) =	sbr.rel $0x88, $3  }
0x1: {  	(tag) =	ssettag $0x0;
	lr =	simm.s32 $0x1  }
0x2: {  	[smem:$0x3F9F] =	sst lr;
	_ =	strace $0xD0000000  }
0x3: {  	_ = 	snop  }
0x4: {  	_ = 	snop  }
0x5: {  	_ = 	snop  }
0x6: {  	_ = 	snop  }
0x7: {  	_ = 	snop  }
__scs_overlays_trampoline_lowered:
0x8: {  	[smem:$0x3FAE] =	sst s0  }
0x9: {  	[smem:$0x3FAF] =	sst s1  }
0xa: {  	[smem:$0x3FB0] =	sst s2  }
0xb: {  	[smem:$0x3FB1] =	sst s3  }
0xc: {  	[smem:$0x3FB2] =	sst s4  }
0xd: {  	[smem:$0x3FB3] =	sst s5  }
0xe: {  	[smem:$0x3FB4] =	sst s6  }
0xf: {  	[smem:$0x3FB5] =	sst s7  }
0x10: {  	[smem:$0x3FB6] =	sst s8  }
0x11: {  	[smem:$0x3FB7] =	sst s9;
	s0 =	simm.s32 @!p0 $0x0  }
0x12: {  	s1 =	sld [smem:$0x3F9D];
	s0 =	simm.s32 @p0 $0x1  }
0x13: {  	[smem:$0x3FB8] =	sst s0;
	s0 =	simm.s32 @!p1 $0x0  }
0x14: {  	s2 =	sld [smem:$0x3F9C];
	s0 =	simm.s32 @p1 $0x1  }
0x15: {  	[smem:$0x3FB9] =	sst s0;
	s0 =	simm.s32 @!p2 $0x0  }
0x16: {  	s3 =	sld [smem:$0x3FDB];
	s0 =	simm.s32 @p2 $0x1  }
0x17: {  	s4 =	simm.s32 $0x1BF5;
	[smem:$0x3FBB] =	sst s0  }
0x18: {  	s0 =	sld [smem:$0x3F9E];
	_ =	swait.ge [sflag:s4], $0x0  }
0x19: {  	s7 =	sld [smem:$0x3F9F]  }
0x1a: {  	s8 =	sadd.s32 $0xFFFFE003, lr  }
0x1b: {  	s9 =	sadd.s32 $0xFFFFFEF7, lr;
	s5 =	simm.s32 $0xFFFFFFFF;
	p2 =	slt.u32 s8, $0xFFFFF086  }
0x1c: {  	p1 =	slt.u32 s9, $0xF7A;
	s5 =	simm.s32 @!p2 $0x0  }
0x1d: {  	s5 =	simm.s32 @p1 $0x1;
	p0 =	seq.s32 s7, s2  }
0x1e: {  	s7 =	smul.u32 @!p0 $0xF7A, s2;
	p2 =	seq.s32 @!p0 s5, $0x0  }
0x1f: {  	s9 =	smul.u32 $0xF7A, s1;
	s8 =	simm.s32 @!p0 $0x1BF5;
	p2 =	por !p2, p0  }
0x20: {  	[sflag:s8] =	ssyncset.s32 @!p0 $0xFFFFF086;
	s6 =	sadd.s32 @!p0 s3, s7;
	s7 =	simm.s32 @!p0 $0x108  }
0x21: {  	s3 =	sadd.s32 s3, s9;
	s6 =	sadd.s32 @!p0 $0x88, s6;
	s7 =	simm.s32 @p2 $0x1082  }
0x22: {  	[simem:s7], [sflag:s8] =	dma.local @!p0 [hbm:s6], $0xF7A  }
0x23: {  	s9 =	sor.u32 $0xD0000000, s2;
	s6 =	simm.s32 $0x108;
	_ =	swait.ge @!p0 [sflag:s8], $0x0  }
0x24: {  	s3 =	sadd.s32 $0x88, s3;
	s6 =	simm.s32 @!p1 $0x1082;
	[sflag:s4] =	ssyncset.s32 $0xFFFFF086  }
0x25: {  	[simem:s6], [sflag:s4] =	dma.local [hbm:s3], $0xF7A  }
0x26: {  	[smem:$0x3F9F] =	sst s1;
	(tag) =	ssettag s2;
	_ =	strace s9  }
0x27: {  	s1 =	sld [smem:$0x3FAF]  }
0x28: {  	s2 =	sld [smem:$0x3FB0]  }
0x29: {  	s4 =	sld [smem:$0x3FB2]  }
0x2a: {  	p0 =	seq.s32 s5, $0x0;
	s5 =	sld [smem:$0x3FB3]  }
0x2b: {  	s6 =	sld [smem:$0x3FB4]  }
0x2c: {  	s7 =	sld [smem:$0x3FB5]  }
0x2d: {  	s3 =	simm.s32 $0x108;
	s8 =	sld [smem:$0x3FB6]  }
0x2e: {  	s3 =	simm.s32 @!p0 $0x1082;
	s9 =	sld [smem:$0x3FB7]  }
0x2f: {  	lr =	sadd.s32 s0, s3;
	s0 =	sld [smem:$0x3FAE]  }
0x30: {  	s3 =	sld [smem:$0x3FB1]  }
0x31: {  	[smem:$0x3FBA] =	sst s10  }
0x32: {  	s10 =	sld [smem:$0x3FB8];
	_ =	sdelay $0x3  }
0x33: {  	p0 =	seq.s32 s10, $0x1;
	s10 =	sld [smem:$0x3FBA];
	_ =	sdelay $0x3  }
0x34: {  	[smem:$0x3FBA] =	sst s10  }
0x35: {  	s10 =	sld [smem:$0x3FB9];
	_ =	sdelay $0x3  }
0x36: {  	p1 =	seq.s32 s10, $0x1;
	s10 =	sld [smem:$0x3FBA];
	_ =	sdelay $0x3  }
0x37: {  	[smem:$0x3FBA] =	sst s10  }
0x38: {  	s10 =	sld [smem:$0x3FBB]  }
0x39: {  	_ = 	snop;
	(pc) =	sbr.ind lr, $3  }
0x3a: {  	_ = 	snop  }
0x3b: {  	_ = 	snop  }
0x3c: {  	p2 =	seq.s32 s10, $0x1;
	s10 =	sld [smem:$0x3FBA]  }
0x3d: {  	_ =	shalt  }
0x3e: {  	_ =	shalt  }
0x3f: {  	_ =	shalt  }
0x40: {  	_ =	shalt  }
0x41: {  	_ =	shalt  }
0x42: {  	_ =	shalt  }
0x43: {  	_ =	shalt  }
0x44: {  	_ =	shalt  }
0x45: {  	_ =	shalt  }
0x46: {  	_ =	shalt  }
0x47: {  	_ =	shalt  }
0x48: {  	_ =	shalt  }
0x49: {  	_ =	shalt  }
0x4a: {  	_ =	shalt  }
0x4b: {  	_ =	shalt  }
0x4c: {  	_ =	shalt  }
0x4d: {  	_ =	shalt  }
0x4e: {  	_ =	shalt  }
0x4f: {  	_ =	shalt  }
0x50: {  	_ =	shalt  }
0x51: {  	_ =	shalt  }
0x52: {  	_ =	shalt  }
0x53: {  	_ =	shalt  }
0x54: {  	_ =	shalt  }
0x55: {  	_ =	shalt  }
0x56: {  	_ =	shalt  }
0x57: {  	_ =	shalt  }
0x58: {  	_ =	shalt  }
0x59: {  	_ =	shalt  }
0x5a: {  	_ =	shalt  }
0x5b: {  	_ =	shalt  }
0x5c: {  	_ =	shalt  }
0x5d: {  	_ =	shalt  }
0x5e: {  	_ =	shalt  }
0x5f: {  	_ =	shalt  }
0x60: {  	_ =	shalt  }
0x61: {  	_ =	shalt  }
0x62: {  	_ =	shalt  }
0x63: {  	_ =	shalt  }
0x64: {  	_ =	shalt  }
0x65: {  	_ =	shalt  }
0x66: {  	_ =	shalt  }
0x67: {  	_ =	shalt  }
0x68: {  	_ =	shalt  }
0x69: {  	_ =	shalt  }
0x6a: {  	_ =	shalt  }
0x6b: {  	_ =	shalt  }
0x6c: {  	_ =	shalt  }
0x6d: {  	_ =	shalt  }
0x6e: {  	_ =	shalt  }
0x6f: {  	_ =	shalt  }
0x70: {  	_ =	shalt  }
0x71: {  	_ =	shalt  }
0x72: {  	_ =	shalt  }
0x73: {  	_ =	shalt  }
0x74: {  	_ =	shalt  }
0x75: {  	_ =	shalt  }
0x76: {  	_ =	shalt  }
0x77: {  	_ =	shalt  }
0x78: {  	_ =	shalt  }
0x79: {  	_ =	shalt  }
0x7a: {  	_ =	shalt  }
0x7b: {  	_ =	shalt  }
0x7c: {  	_ =	shalt  }
0x7d: {  	_ =	shalt  }
0x7e: {  	_ =	shalt  }
0x7f: {  	_ =	shalt  }
0x80: {  	_ =	shalt  }
0x81: {  	_ =	shalt  }
0x82: {  	_ =	shalt  }
0x83: {  	_ =	shalt  }
0x84: {  	_ =	shalt  }
0x85: {  	_ =	shalt  }
0x86: {  	_ =	shalt  }
0x87: {  	_ =	shalt  }
.Lfunc_end0:
.L_simem_size_0:
called_computation_lowered:
.L_overlay_start_0:
0x88: {  	s2 =	sld [smem:$0x3FD9]  }
0x89: {  	s3 =	sld [smem:$0x3FFE];
	_ =	sdelay $0x1  }
0x8a: {  	s1 =	srdreg.scid  }
0x8b: {  	s0 =	sand.u32 $0x1, s1  }
0x8c: {  	s17 =	sshll.u32 s0, $0xA;
	s2 =	sadd.s32 s3, s2  }
0x8d: {  	s2 =	sadd.s32 s2, s17  }
0x8e: {  	[smem:$0x3FC6] =	sst s2  }
0x8f: {  	_ = 	snop  }
0x90: {  	s2 =	sld [smem:$0x3FC9]  }
0x91: {  	s18 =	sld [smem:$0x3FC8];
	(tm) =	ssettm $0x1  }
0x92: {  	s4 =	sld [smem:$0x3FFB];
	_ =	sdelay $0x3  }
0x93: {  	_ =	strace s4  }
0x94: {  	s4 =	sld [smem:$0x3FFC];
	_ =	sdelay $0x3  }
0x95: {  	_ =	strace s4  }
0x96: {  	s4 =	sld [smem:$0x3FFD];
	_ =	sdelay $0x3  }
0x97: {  	_ =	strace s4  }
0x98: {  	_ =	strace $0x8FFFFFFF  }
0x99: {  	s19 =	sld [smem:$0x3FDB];
	_ =	sdelay $0x1  }
0x9a: {  	s5 =	simm.s32 $_scs_section_size  }
0x9b: {  	s6 =	simm.s32 $_size__tile_overlayer_lowered;
	s7 =	simm.s32 $_tile_overlayer_lowered  }
0x9c: {  	s22 =	simm.s32 $0x1BFF;
	s21 =	sshll.u32 s7, $0x1;
	s4 =	sadd.s32 s5, s19  }
0x9d: {  	s8 =	simm.s32 $0x0;
	s20 =	sshll.u32 s6, $0x1;
	s6 =	sadd.s32 s21, s4  }
0x9e: {  	[timem:s8], [sflag:s22] =	dma.local [hbm:s6], s20  }
0x9f: {  	_ =	swait.ge [sflag:s22], s20  }
0xa0: {  	s5 =	ssub.s32 $0x0, s20;
	[sflag:s22] =	ssyncset.done $0x0  }
0xa1: {  	[sflag:s22] =	ssyncadd.s32 s5;
	_ =	sdelay $0x1  }
0xa2: {  	s23 =	simm.s32 $0x1B8B  }
0xa3: {  	_ =	swait.ge [sflag:s23], $0x1  }
0xa4: {  	[sflag:s23] =	ssyncset.done $0x0  }
0xa5: {  	s25 =	simm.s32 $0x1B8E;
	s24 =	sld [smem:$0x3FFE];
	[sflag:s23] =	ssyncadd.s32 $0xFFFFFFFF  }
0xa6: {  	s26 =	simm.s32 $execute0_lowered;
	[smem:$0x3FD2] =	sst s25  }
0xa7: {  	s6 =	sshll.u32 s26, $0x1;
	_ =	strace $0x80000046;
	[dreg:$0x1] =	wrdreg $0xFFFFFFFF  }
0xa8: {  	s28 =	simm.s32 $_size_execute0_lowered;
	s4 =	sadd.s32 s4, s6;
	[dreg:$0x0] =	wrdreg $0x0  }
0xa9: {  	s6 =	sshll.u32 s28, $0x1;
	[dreg:$0x2] =	wrdreg s4  }
0xaa: {  	[dreg:$0x3] =	wrdreg s6  }
0xab: {  	[dreg:$0x4] =	wrdreg $0xC0  }
0xac: {  	_ =	task [dreg:s8], $0x5FFFF  }
0xad: {  	[dreg:$0x1] =	wrdreg $0xFFFFFFFF  }
0xae: {  	[dreg:$0x0] =	wrdreg $0x60  }
0xaf: {  	[dreg:$0x2] =	wrdreg s2  }
0xb0: {  	[dreg:$0x3] =	wrdreg s18  }
0xb1: {  	[dreg:$0x4] =	wrdreg s24  }
0xb2: {  	[dreg:$0x5] =	wrdreg $0x9  }
0xb3: {  	_ =	task.clear_ibuf [dreg:s8], $0x6FFFF;
	_ =	strace $0x90000046  }
0xb4: {  	s29 =	simm.s32 $0x9;
	_ =	strace $0x80000048  }
0xb5: {  	_ =	swait.ge [sflag:s29], $0x1  }
0xb6: {  	[sflag:s29] =	ssyncadd.s32 $0xFFFFFFFF  }
0xb7: {  	_ =	strace $0x90000048  }
0xb8: {  	_ =	sfence  }
0xb9: {  	s30 =	sld [smem:$0x0];
	_ =	sdelay $0x2  }
0xba: {  	s31 =	sshll.u32 s1, $0xD;
	s1 =	sshrl.u32 s1, $0x2  }
0xbb: {  	s3 =	sand.u32 $0x4000, s31;
	s1 =	sadd.s32 s1, s30  }
0xbc: {  	s0 =	sor.u32 s3, s0;
	s1 =	sshll.u32 s1, $0x11  }
0xbd: {  	s0 =	sor.u32 s1, s0  }
0xbe: {  	s0 =	sadd.s32 $0x8F2B, s0  }
0xbf: {  	[sflag:s0] =	ssyncadd.remote.s32 $0x1  }
0xc0: {  	_ =	sfence.sel $0xFFFF  }
0xc1: {  	[dreg:$0x0] =	wrdreg $0xFFFFFFFF;
	(pc) =	sbr.abs _section_cstart, $3  }
0xc2: {  	[dreg:$0x1] =	wrdreg $0xFFFFFFFF  }
0xc3: {  	_ =	task.clear_ibuf [dreg:s8], $0x2FFFF;
	_ =	strace $0x9FFFFFFF  }
0xc4: {  	(tm) =	ssettm $0x7FFFFFFF  }
0xc5: {  	_ =	shalt  }
tec
execute0_lowered:
.L_overlay_start_1:
0x0: {  	(tag) =	ssettag $0x1  }
0x1: {  	s12 =	rddreg [dreg:$0x0]  }
0x2: {  	s11 =	rddreg [dreg:$0x1]  }
0x3: {  	s1 =	srdreg.scid;
	s0 =	stileid.u32  }
0x4: {  	s3 =	rddreg [dreg:$0x2];
	s16 =	simm.s32 $0xEF80;
	s17 =	simm.s32 $0x11700  }
0x5: {  	s18 =	simm.s32 $0x13E80;
	s19 =	simm.s32 $0x1;
	s20 =	simm.s32 $0x3  }
0x6: {  	s21 =	simm.s32 $0x2;
	s22 =	simm.s32 $0x4;
	s23 =	simm.s32 $0x80  }
0x7: {  	s24 =	simm.s32 $0x400;
	s25 =	simm.s32 $0x5;
	s26 =	simm.s32 $0x0  }
0x8: {  	s4 =	sand.u32 $0x1, s1;
	s2 =	sshll.u32 s0, $0x1;
	s1 =	rddreg [dreg:$0x3]  }
0x9: {  	s6 =	sshrl.u32 s0, $0x2;
	s5 =	sor.u32 s4, s2;
	s2 =	simm.s32 $0x0  }
0xa: {  	s6 =	smul.u32 $0x64000, s6;
	s4 =	ssub.s32 $0x2, s4;
	s7 =	sshll.u32 s5, $0x7  }
0xb: {  	[smem:$0x7FF] =	sst s2;
	s5 =	smul.u32 $0xC350, s5;
	s30 =	sshrl.u32 s4, $0x1  }
0xc: {  	s7 =	sand.u32 $0x380, s7;
	_ =	strace $0x80000047;
	s14 =	ssub.s32 s4, s30  }
0xd: {  	s6 =	sor.u32 s6, s7;
	s9 =	sshrl.u32 s5, $0x3;
	s14 =	smax.u32 s14, $0x1  }
0xe: {  	s6 =	sshrl.u32 s6, $0x3;
	s4 =	sadd.s32 s12, s9;
	s31 =	sadd.s32 $0x4E2, s9  }
0xf: {  	s8 =	sadd.s32 $0x9C4, s9;
	s10 =	sadd.s32 $0xEA6, s9;
	s15 =	sadd.s32 $0x1388, s9  }
0x10: {  	s13 =	sadd.s32 s6, s3;
	s3 =	sadd.s32 s11, s9;
	s5 =	sadd.s32 s11, s31  }
0x11: {  	v1 =	vlaneseq.u32;
	s6 =	sadd.s32 s12, s31;
	s7 =	sadd.s32 s11, s8;
	s8 =	sadd.s32 s12, s8  }
0x12: {  	v1 =	vmul.u32 $0x271, v1;
	s9 =	sadd.s32 s11, s10;
	s10 =	sadd.s32 s12, s10;
	s11 =	sadd.s32 s11, s15  }
0x13: {  	v0 =	vimm.f32 $0.0e+00;
	s12 =	sadd.s32 s12, s15;
	s15 =	simm.s32 $0xC800;
	s13 =	sadd.s32 $0x600, s13  }
.LBB2_1:
0x14: {  	[tilespmem:s15], [sflag:$0x1] =	stream.linear.gather [hbm4b:s3+s2], $0x2710, $0x38;
	[tilespmem:$0x16600] =	vst v63  }
0x15: {  	s28 =	simm.s32 $0x0;
	s29 =	simm.s32 $0x200  }
0x16: {  	[tilespmem:s16], [sflag:$0x3] =	stream.linear.gather [hbm4b:s4+s2], $0x2710, $0x38;
	[tilespmem:$0x16600] =	vst v63  }
.LBB2_2:
0x17: {  	p0 =	sne.s32 s29, $0x31E00;
	[tilespmem:s28+$0x70] =	vst v0  }
0x18: {  	[tilespmem:s28+$0x0] =	vst v0  }
0x19: {  	[tilespmem:s28+$0x10] =	vst v0  }
.Ltmp0:
0x1a: {  	[tilespmem:s28+$0x20] =	vst v0;
	(pc) =	sbr.rel @p0 .LBB2_2-.Ltmp0, $4  }
0x1b: {  	[tilespmem:s28+$0x30] =	vst v0  }
0x1c: {  	[tilespmem:s28+$0x40] =	vst v0  }
0x1d: {  	[tilespmem:s28+$0x50] =	vst v0  }
0x1e: {  	[tilespmem:s28+$0x60] =	vst v0;
	s28 =	sshra.s32 s29, $0x2;
	s29 =	sadd.s32 $0x200, s29  }
0x1f: {  	[tilespmem:s28+$0x70] =	vst v0  }
0x20: {  	[tilespmem:s28+$0x0] =	vst v0  }
0x21: {  	[tilespmem:s28+$0x10] =	vst v0  }
0x22: {  	[tilespmem:s28+$0x20] =	vst v0  }
0x23: {  	[tilespmem:s28+$0x30] =	vst v0  }
0x24: {  	[tilespmem:s28+$0x40] =	vst v0  }
0x25: {  	[tilespmem:s28+$0x50] =	vst v0  }
0x26: {  	[tilespmem:s28+$0x60] =	vst v0;
	s28 =	simm.s32 $0x0  }
0x27: {  	[tilespmem:s17], [sflag:$0x2] =	stream.linear.gather [hbm4b:s5+s28], $0x2710, $0x38;
	[tilespmem:$0x16600] =	vst v63  }
0x28: {  	_ = 	snop  }
0x29: {  	[tilespmem:s18], [sflag:$0x4] =	stream.linear.gather [hbm4b:s6+s28], $0x2710, $0x38;
	[tilespmem:$0x16600] =	vst v63  }
0x2a: {  	_ =	swait.ge [sflag:s19], $0x2710  }
0x2b: {  	v3 =	vadd.s32 s28, v1;
	[sflag:s19] =	ssyncset.done $0x0  }
0x2c: {  	s28 =	simm.s32 $0x4;
	[sflag:s19] =	ssyncadd.s32 $0xFFFFD8F0  }
0x2d: {  	v5 =	vadd.s32 s28, v1;
	_ =	swait.ge [sflag:s20], $0x2710  }
0x2e: {  	s29 =	simm.s32 $0x3;
	[sflag:s20] =	ssyncset.done $0x0  }
0x2f: {  	v4 =	vadd.s32 s29, v1;
	[sflag:s20] =	ssyncadd.s32 $0xFFFFD8F0  }
0x30: {  	s30 =	simm.s32 $0x2;
	v2 =	vld.idx.msk [tilespmem:v3+s16+$0x0], $0xffff  }
0x31: {  	s29 =	simm.s32 $0x1;
	v6 =	vadd.s32 s30, v1;
	s28 =	simm.s32 $0x5;
	v3 =	vld.idx.msk [tilespmem:v3+s15+$0x0], $0xffff  }
.LBB2_4:
0x32: {  	p0 =	slt.u32 s28, $0x26C;
	v7 =	vadd.s32 s29, v1;
	v8 =	vld.idx.msk [tilespmem:v5+s16+$0x0], $0xffff  }
0x33: {  	v9 =	vld.idx.msk [tilespmem:v5+s15+$0x0], $0xffff  }
0x34: {  	v10 =	vld.idx.msk [tilespmem:v4+s16+$0x0], $0xffff  }
0x35: {  	v11 =	vadd.s32 s28, v1;
	v4 =	vld.idx.msk [tilespmem:v4+s15+$0x0], $0xffff  }
0x36: {  	v12 =	vld.idx.msk [tilespmem:v6+s15+$0x0], $0xffff  }
0x37: {  	v13 =	vld.idx.msk [tilespmem:v7+s15+$0x0], $0xffff  }
0x38: {  	v6 =	vld.idx.msk [tilespmem:v6+s16+$0x0], $0xffff  }
0x39: {  	v7 =	vld.idx.msk [tilespmem:v7+s16+$0x0], $0xffff  }
0x3a: {  	v14 =	vld.idx.msk [tilespmem:v11+s16+$0x0], $0xffff  }
0x3b: {  	s29 =	sadd.s32 $0x4, s28;
	[tilespmem:v3+s2+$0x0] =	vst.idx.add.f32.msk $0xffff, v2  }
.Ltmp1:
0x3c: {  	v5 =	vadd.s32 s29, v1;
	[tilespmem:v9+s2+$0x0] =	vst.idx.add.f32.msk $0xffff, v8;
	(pc) =	sbr.rel @p0 .LBB2_4-.Ltmp1, $4  }
0x3d: {  	s29 =	sadd.s32 $0x3, s28;
	[tilespmem:v4+s2+$0x0] =	vst.idx.add.f32.msk $0xffff, v10  }
0x3e: {  	v4 =	vadd.s32 s29, v1;
	[tilespmem:v12+s2+$0x0] =	vst.idx.add.f32.msk $0xffff, v6  }
0x3f: {  	s30 =	sadd.s32 $0x2, s28;
	[tilespmem:v13+s2+$0x0] =	vst.idx.add.f32.msk $0xffff, v7  }
0x40: {  	s29 =	sadd.s32 $0x1, s28;
	s28 =	sadd.s32 $0x5, s28;
	v6 =	vadd.s32 s30, v1;
	v2 =	vmov v14;
	v3 =	vld.idx.msk [tilespmem:v11+s15+$0x0], $0xffff  }
0x41: {  	_ =	sdelay $0x2  }
0x42: {  	v7 =	vadd.s32 s29, v1  }
0x43: {  	v8 =	vld.idx.msk [tilespmem:v5+s16+$0x0], $0xffff  }
0x44: {  	v5 =	vld.idx.msk [tilespmem:v5+s15+$0x0], $0xffff  }
0x45: {  	v9 =	vld.idx.msk [tilespmem:v4+s15+$0x0], $0xffff  }
0x46: {  	v10 =	vld.idx.msk [tilespmem:v6+s15+$0x0], $0xffff  }
0x47: {  	v11 =	vld.idx.msk [tilespmem:v7+s15+$0x0], $0xffff  }
0x48: {  	v4 =	vld.idx.msk [tilespmem:v4+s16+$0x0], $0xffff  }
0x49: {  	v6 =	vld.idx.msk [tilespmem:v6+s16+$0x0], $0xffff  }
0x4a: {  	v7 =	vld.idx.msk [tilespmem:v7+s16+$0x0], $0xffff  }
0x4b: {  	[tilespmem:v3+s2+$0x0] =	vst.idx.add.f32.msk $0xffff, v2  }
0x4c: {  	[tilespmem:v5+s2+$0x0] =	vst.idx.add.f32.msk $0xffff, v8  }
0x4d: {  	[tilespmem:v9+s2+$0x0] =	vst.idx.add.f32.msk $0xffff, v4  }
0x4e: {  	[tilespmem:v10+s2+$0x0] =	vst.idx.add.f32.msk $0xffff, v6  }
0x4f: {  	s28 =	simm.s32 $0x0;
	[tilespmem:v11+s2+$0x0] =	vst.idx.add.f32.msk $0xffff, v7  }
0x50: {  	[tilespmem:s15], [sflag:$0x1] =	stream.linear.gather [hbm4b:s7+s28], $0x2710, $0x38;
	[tilespmem:$0x16600] =	vst v63  }
0x51: {  	_ = 	snop  }
0x52: {  	[tilespmem:s16], [sflag:$0x3] =	stream.linear.gather [hbm4b:s8+s28], $0x2710, $0x38;
	[tilespmem:$0x16600] =	vst v63  }
0x53: {  	_ =	swait.ge [sflag:s21], $0x2710  }
0x54: {  	v3 =	vadd.s32 s28, v1;
	[sflag:s21] =	ssyncset.done $0x0  }
0x55: {  	s28 =	simm.s32 $0x4;
	[sflag:s21] =	ssyncadd.s32 $0xFFFFD8F0  }
0x56: {  	v5 =	vadd.s32 s28, v1;
	_ =	swait.ge [sflag:s22], $0x2710  }
0x57: {  	s29 =	simm.s32 $0x3;
	[sflag:s22] =	ssyncset.done $0x0  }
0x58: {  	v4 =	vadd.s32 s29, v1;
	[sflag:s22] =	ssyncadd.s32 $0xFFFFD8F0  }
0x59: {  	s30 =	simm.s32 $0x2;
	v2 =	vld.idx.msk [tilespmem:v3+s18+$0x0], $0xffff  }
0x5a: {  	s29 =	simm.s32 $0x1;
	v6 =	vadd.s32 s30, v1;
	s28 =	simm.s32 $0x5;
	v3 =	vld.idx.msk [tilespmem:v3+s17+$0x0], $0xffff  }
.LBB2_6:
0x5b: {  	p0 =	slt.u32 s28, $0x26C;
	v7 =	vadd.s32 s29, v1;
	v8 =	vld.idx.msk [tilespmem:v5+s18+$0x0], $0xffff  }
0x5c: {  	v9 =	vld.idx.msk [tilespmem:v5+s17+$0x0], $0xffff  }
0x5d: {  	v10 =	vld.idx.msk [tilespmem:v4+s18+$0x0], $0xffff  }
0x5e: {  	v11 =	vadd.s32 s28, v1;
	v4 =	vld.idx.msk [tilespmem:v4+s17+$0x0], $0xffff  }
0x5f: {  	v12 =	vld.idx.msk [tilespmem:v6+s17+$0x0], $0xffff  }
0x60: {  	v13 =	vld.idx.msk [tilespmem:v7+s17+$0x0], $0xffff  }
0x61: {  	v6 =	vld.idx.msk [tilespmem:v6+s18+$0x0], $0xffff  }
0x62: {  	v7 =	vld.idx.msk [tilespmem:v7+s18+$0x0], $0xffff  }
0x63: {  	v14 =	vld.idx.msk [tilespmem:v11+s18+$0x0], $0xffff  }
0x64: {  	s29 =	sadd.s32 $0x4, s28;
	[tilespmem:v3+s2+$0x0] =	vst.idx.add.f32.msk $0xffff, v2  }
.Ltmp2:
0x65: {  	v5 =	vadd.s32 s29, v1;
	[tilespmem:v9+s2+$0x0] =	vst.idx.add.f32.msk $0xffff, v8;
	(pc) =	sbr.rel @p0 .LBB2_6-.Ltmp2, $4  }
0x66: {  	s29 =	sadd.s32 $0x3, s28;
	[tilespmem:v4+s2+$0x0] =	vst.idx.add.f32.msk $0xffff, v10  }
0x67: {  	v4 =	vadd.s32 s29, v1;
	[tilespmem:v12+s2+$0x0] =	vst.idx.add.f32.msk $0xffff, v6  }
0x68: {  	s30 =	sadd.s32 $0x2, s28;
	[tilespmem:v13+s2+$0x0] =	vst.idx.add.f32.msk $0xffff, v7  }
0x69: {  	s29 =	sadd.s32 $0x1, s28;
	s28 =	sadd.s32 $0x5, s28;
	v6 =	vadd.s32 s30, v1;
	v2 =	vmov v14;
	v3 =	vld.idx.msk [tilespmem:v11+s17+$0x0], $0xffff  }
0x6a: {  	_ =	sdelay $0x2  }
0x6b: {  	v7 =	vadd.s32 s29, v1  }
0x6c: {  	v8 =	vld.idx.msk [tilespmem:v5+s18+$0x0], $0xffff  }
0x6d: {  	v5 =	vld.idx.msk [tilespmem:v5+s17+$0x0], $0xffff  }
0x6e: {  	v9 =	vld.idx.msk [tilespmem:v4+s17+$0x0], $0xffff  }
0x6f: {  	v10 =	vld.idx.msk [tilespmem:v6+s17+$0x0], $0xffff  }
0x70: {  	v11 =	vld.idx.msk [tilespmem:v7+s17+$0x0], $0xffff  }
0x71: {  	v4 =	vld.idx.msk [tilespmem:v4+s18+$0x0], $0xffff  }
0x72: {  	v6 =	vld.idx.msk [tilespmem:v6+s18+$0x0], $0xffff  }
0x73: {  	v7 =	vld.idx.msk [tilespmem:v7+s18+$0x0], $0xffff  }
0x74: {  	[tilespmem:v3+s2+$0x0] =	vst.idx.add.f32.msk $0xffff, v2  }
0x75: {  	[tilespmem:v5+s2+$0x0] =	vst.idx.add.f32.msk $0xffff, v8  }
0x76: {  	[tilespmem:v9+s2+$0x0] =	vst.idx.add.f32.msk $0xffff, v4  }
0x77: {  	[tilespmem:v10+s2+$0x0] =	vst.idx.add.f32.msk $0xffff, v6  }
0x78: {  	s28 =	simm.s32 $0x0;
	[tilespmem:v11+s2+$0x0] =	vst.idx.add.f32.msk $0xffff, v7  }
0x79: {  	[tilespmem:s17], [sflag:$0x2] =	stream.linear.gather [hbm4b:s9+s28], $0x2710, $0x38;
	[tilespmem:$0x16600] =	vst v63  }
0x7a: {  	_ = 	snop  }
0x7b: {  	[tilespmem:s18], [sflag:$0x4] =	stream.linear.gather [hbm4b:s10+s28], $0x2710, $0x38;
	[tilespmem:$0x16600] =	vst v63  }
0x7c: {  	_ =	swait.ge [sflag:s19], $0x2710  }
0x7d: {  	v3 =	vadd.s32 s28, v1;
	[sflag:s19] =	ssyncset.done $0x0  }
0x7e: {  	s28 =	simm.s32 $0x4;
	[sflag:s19] =	ssyncadd.s32 $0xFFFFD8F0  }
0x7f: {  	v5 =	vadd.s32 s28, v1;
	_ =	swait.ge [sflag:s20], $0x2710  }
0x80: {  	s29 =	simm.s32 $0x3;
	[sflag:s20] =	ssyncset.done $0x0  }
0x81: {  	v4 =	vadd.s32 s29, v1;
	[sflag:s20] =	ssyncadd.s32 $0xFFFFD8F0  }
0x82: {  	s30 =	simm.s32 $0x2;
	v2 =	vld.idx.msk [tilespmem:v3+s16+$0x0], $0xffff  }
0x83: {  	s29 =	simm.s32 $0x1;
	v6 =	vadd.s32 s30, v1;
	s28 =	simm.s32 $0x5;
	v3 =	vld.idx.msk [tilespmem:v3+s15+$0x0], $0xffff  }
.LBB2_8:
0x84: {  	p0 =	slt.u32 s28, $0x26C;
	v7 =	vadd.s32 s29, v1;
	v8 =	vld.idx.msk [tilespmem:v5+s16+$0x0], $0xffff  }
0x85: {  	v9 =	vld.idx.msk [tilespmem:v5+s15+$0x0], $0xffff  }
0x86: {  	v10 =	vld.idx.msk [tilespmem:v4+s16+$0x0], $0xffff  }
0x87: {  	v11 =	vadd.s32 s28, v1;
	v4 =	vld.idx.msk [tilespmem:v4+s15+$0x0], $0xffff  }
0x88: {  	v12 =	vld.idx.msk [tilespmem:v6+s15+$0x0], $0xffff  }
0x89: {  	v13 =	vld.idx.msk [tilespmem:v7+s15+$0x0], $0xffff  }
0x8a: {  	v6 =	vld.idx.msk [tilespmem:v6+s16+$0x0], $0xffff  }
0x8b: {  	v7 =	vld.idx.msk [tilespmem:v7+s16+$0x0], $0xffff  }
0x8c: {  	v14 =	vld.idx.msk [tilespmem:v11+s16+$0x0], $0xffff  }
0x8d: {  	s29 =	sadd.s32 $0x4, s28;
	[tilespmem:v3+s2+$0x0] =	vst.idx.add.f32.msk $0xffff, v2  }
.Ltmp3:
0x8e: {  	v5 =	vadd.s32 s29, v1;
	[tilespmem:v9+s2+$0x0] =	vst.idx.add.f32.msk $0xffff, v8;
	(pc) =	sbr.rel @p0 .LBB2_8-.Ltmp3, $4  }
0x8f: {  	s29 =	sadd.s32 $0x3, s28;
	[tilespmem:v4+s2+$0x0] =	vst.idx.add.f32.msk $0xffff, v10  }
0x90: {  	v4 =	vadd.s32 s29, v1;
	[tilespmem:v12+s2+$0x0] =	vst.idx.add.f32.msk $0xffff, v6  }
0x91: {  	s30 =	sadd.s32 $0x2, s28;
	[tilespmem:v13+s2+$0x0] =	vst.idx.add.f32.msk $0xffff, v7  }
0x92: {  	s29 =	sadd.s32 $0x1, s28;
	s28 =	sadd.s32 $0x5, s28;
	v6 =	vadd.s32 s30, v1;
	v2 =	vmov v14;
	v3 =	vld.idx.msk [tilespmem:v11+s15+$0x0], $0xffff  }
0x93: {  	_ =	sdelay $0x2  }
0x94: {  	v7 =	vadd.s32 s29, v1  }
0x95: {  	v8 =	vld.idx.msk [tilespmem:v5+s16+$0x0], $0xffff  }
0x96: {  	v5 =	vld.idx.msk [tilespmem:v5+s15+$0x0], $0xffff  }
0x97: {  	v9 =	vld.idx.msk [tilespmem:v4+s15+$0x0], $0xffff  }
0x98: {  	v10 =	vld.idx.msk [tilespmem:v6+s15+$0x0], $0xffff  }
0x99: {  	v11 =	vld.idx.msk [tilespmem:v7+s15+$0x0], $0xffff  }
0x9a: {  	v4 =	vld.idx.msk [tilespmem:v4+s16+$0x0], $0xffff  }
0x9b: {  	v6 =	vld.idx.msk [tilespmem:v6+s16+$0x0], $0xffff  }
0x9c: {  	v7 =	vld.idx.msk [tilespmem:v7+s16+$0x0], $0xffff  }
0x9d: {  	[tilespmem:v3+s2+$0x0] =	vst.idx.add.f32.msk $0xffff, v2  }
0x9e: {  	[tilespmem:v5+s2+$0x0] =	vst.idx.add.f32.msk $0xffff, v8  }
0x9f: {  	[tilespmem:v9+s2+$0x0] =	vst.idx.add.f32.msk $0xffff, v4  }
0xa0: {  	[tilespmem:v10+s2+$0x0] =	vst.idx.add.f32.msk $0xffff, v6  }
0xa1: {  	s28 =	simm.s32 $0x0;
	[tilespmem:v11+s2+$0x0] =	vst.idx.add.f32.msk $0xffff, v7  }
0xa2: {  	[tilespmem:s15], [sflag:$0x1] =	stream.linear.gather [hbm4b:s11+s28], $0x2710, $0x38;
	[tilespmem:$0x16600] =	vst v63  }
0xa3: {  	_ = 	snop  }
0xa4: {  	[tilespmem:s16], [sflag:$0x3] =	stream.linear.gather [hbm4b:s12+s28], $0x2710, $0x38;
	[tilespmem:$0x16600] =	vst v63  }
0xa5: {  	_ =	swait.ge [sflag:s21], $0x2710  }
0xa6: {  	v3 =	vadd.s32 s28, v1;
	[sflag:s21] =	ssyncset.done $0x0  }
0xa7: {  	s28 =	simm.s32 $0x4;
	[sflag:s21] =	ssyncadd.s32 $0xFFFFD8F0  }
0xa8: {  	v5 =	vadd.s32 s28, v1;
	_ =	swait.ge [sflag:s22], $0x2710  }
0xa9: {  	s29 =	simm.s32 $0x3;
	[sflag:s22] =	ssyncset.done $0x0  }
0xaa: {  	v4 =	vadd.s32 s29, v1;
	[sflag:s22] =	ssyncadd.s32 $0xFFFFD8F0  }
0xab: {  	s30 =	simm.s32 $0x2;
	v2 =	vld.idx.msk [tilespmem:v3+s18+$0x0], $0xffff  }
0xac: {  	s29 =	simm.s32 $0x1;
	v6 =	vadd.s32 s30, v1;
	s28 =	simm.s32 $0x5;
	v3 =	vld.idx.msk [tilespmem:v3+s17+$0x0], $0xffff  }
.LBB2_10:
0xad: {  	p0 =	slt.u32 s28, $0x26C;
	v7 =	vadd.s32 s29, v1;
	v8 =	vld.idx.msk [tilespmem:v5+s18+$0x0], $0xffff  }
0xae: {  	v9 =	vld.idx.msk [tilespmem:v5+s17+$0x0], $0xffff  }
0xaf: {  	v10 =	vld.idx.msk [tilespmem:v4+s18+$0x0], $0xffff  }
0xb0: {  	v11 =	vadd.s32 s28, v1;
	v4 =	vld.idx.msk [tilespmem:v4+s17+$0x0], $0xffff  }
0xb1: {  	v12 =	vld.idx.msk [tilespmem:v6+s17+$0x0], $0xffff  }
0xb2: {  	v13 =	vld.idx.msk [tilespmem:v7+s17+$0x0], $0xffff  }
0xb3: {  	v6 =	vld.idx.msk [tilespmem:v6+s18+$0x0], $0xffff  }
0xb4: {  	v7 =	vld.idx.msk [tilespmem:v7+s18+$0x0], $0xffff  }
0xb5: {  	v14 =	vld.idx.msk [tilespmem:v11+s18+$0x0], $0xffff  }
0xb6: {  	s29 =	sadd.s32 $0x4, s28;
	[tilespmem:v3+s2+$0x0] =	vst.idx.add.f32.msk $0xffff, v2  }
.Ltmp4:
0xb7: {  	v5 =	vadd.s32 s29, v1;
	[tilespmem:v9+s2+$0x0] =	vst.idx.add.f32.msk $0xffff, v8;
	(pc) =	sbr.rel @p0 .LBB2_10-.Ltmp4, $4  }
0xb8: {  	s29 =	sadd.s32 $0x3, s28;
	[tilespmem:v4+s2+$0x0] =	vst.idx.add.f32.msk $0xffff, v10  }
0xb9: {  	v4 =	vadd.s32 s29, v1;
	[tilespmem:v12+s2+$0x0] =	vst.idx.add.f32.msk $0xffff, v6  }
0xba: {  	s30 =	sadd.s32 $0x2, s28;
	[tilespmem:v13+s2+$0x0] =	vst.idx.add.f32.msk $0xffff, v7  }
0xbb: {  	s29 =	sadd.s32 $0x1, s28;
	s28 =	sadd.s32 $0x5, s28;
	v6 =	vadd.s32 s30, v1;
	v2 =	vmov v14;
	v3 =	vld.idx.msk [tilespmem:v11+s17+$0x0], $0xffff  }
0xbc: {  	_ =	sdelay $0x2  }
0xbd: {  	v7 =	vadd.s32 s29, v1  }
0xbe: {  	v8 =	vld.idx.msk [tilespmem:v5+s18+$0x0], $0xffff  }
0xbf: {  	v5 =	vld.idx.msk [tilespmem:v5+s17+$0x0], $0xffff  }
0xc0: {  	v9 =	vld.idx.msk [tilespmem:v4+s17+$0x0], $0xffff  }
0xc1: {  	v10 =	vld.idx.msk [tilespmem:v6+s17+$0x0], $0xffff  }
0xc2: {  	v11 =	vld.idx.msk [tilespmem:v7+s17+$0x0], $0xffff  }
0xc3: {  	v4 =	vld.idx.msk [tilespmem:v4+s18+$0x0], $0xffff  }
0xc4: {  	v6 =	vld.idx.msk [tilespmem:v6+s18+$0x0], $0xffff  }
0xc5: {  	v7 =	vld.idx.msk [tilespmem:v7+s18+$0x0], $0xffff  }
0xc6: {  	[tilespmem:v3+s2+$0x0] =	vst.idx.add.f32.msk $0xffff, v2  }
0xc7: {  	[tilespmem:v5+s2+$0x0] =	vst.idx.add.f32.msk $0xffff, v8  }
0xc8: {  	[tilespmem:v9+s2+$0x0] =	vst.idx.add.f32.msk $0xffff, v4  }
0xc9: {  	[tilespmem:v10+s2+$0x0] =	vst.idx.add.f32.msk $0xffff, v6  }
0xca: {  	[tilespmem:v11+s2+$0x0] =	vst.idx.add.f32.msk $0xffff, v7  }
0xcb: {  	s28 =	simm.s32 $0x0;
	_ =	swait.ge [sflag:s19], $0x2710  }
0xcc: {  	v3 =	vadd.s32 s28, v1;
	[sflag:s19] =	ssyncset.done $0x0  }
0xcd: {  	s28 =	simm.s32 $0x4;
	[sflag:s19] =	ssyncadd.s32 $0xFFFFD8F0  }
0xce: {  	v5 =	vadd.s32 s28, v1;
	_ =	swait.ge [sflag:s20], $0x2710  }
0xcf: {  	s29 =	simm.s32 $0x3;
	[sflag:s20] =	ssyncset.done $0x0  }
0xd0: {  	v4 =	vadd.s32 s29, v1;
	[sflag:s20] =	ssyncadd.s32 $0xFFFFD8F0  }
0xd1: {  	s30 =	simm.s32 $0x2;
	v2 =	vld.idx.msk [tilespmem:v3+s16+$0x0], $0xffff  }
0xd2: {  	s29 =	simm.s32 $0x1;
	v6 =	vadd.s32 s30, v1;
	s28 =	simm.s32 $0x5;
	v3 =	vld.idx.msk [tilespmem:v3+s15+$0x0], $0xffff  }
.LBB2_12:
0xd3: {  	p0 =	slt.u32 s28, $0x26C;
	v7 =	vadd.s32 s29, v1;
	v8 =	vld.idx.msk [tilespmem:v5+s16+$0x0], $0xffff  }
0xd4: {  	v9 =	vld.idx.msk [tilespmem:v5+s15+$0x0], $0xffff  }
0xd5: {  	v10 =	vld.idx.msk [tilespmem:v4+s16+$0x0], $0xffff  }
0xd6: {  	v11 =	vadd.s32 s28, v1;
	v4 =	vld.idx.msk [tilespmem:v4+s15+$0x0], $0xffff  }
0xd7: {  	v12 =	vld.idx.msk [tilespmem:v6+s15+$0x0], $0xffff  }
0xd8: {  	v13 =	vld.idx.msk [tilespmem:v7+s15+$0x0], $0xffff  }
0xd9: {  	v6 =	vld.idx.msk [tilespmem:v6+s16+$0x0], $0xffff  }
0xda: {  	v7 =	vld.idx.msk [tilespmem:v7+s16+$0x0], $0xffff  }
0xdb: {  	v14 =	vld.idx.msk [tilespmem:v11+s16+$0x0], $0xffff  }
0xdc: {  	s29 =	sadd.s32 $0x4, s28;
	[tilespmem:v3+s2+$0x0] =	vst.idx.add.f32.msk $0xffff, v2  }
.Ltmp5:
0xdd: {  	v5 =	vadd.s32 s29, v1;
	[tilespmem:v9+s2+$0x0] =	vst.idx.add.f32.msk $0xffff, v8;
	(pc) =	sbr.rel @p0 .LBB2_12-.Ltmp5, $4  }
0xde: {  	s29 =	sadd.s32 $0x3, s28;
	[tilespmem:v4+s2+$0x0] =	vst.idx.add.f32.msk $0xffff, v10  }
0xdf: {  	v4 =	vadd.s32 s29, v1;
	[tilespmem:v12+s2+$0x0] =	vst.idx.add.f32.msk $0xffff, v6  }
0xe0: {  	s30 =	sadd.s32 $0x2, s28;
	[tilespmem:v13+s2+$0x0] =	vst.idx.add.f32.msk $0xffff, v7  }
0xe1: {  	s29 =	sadd.s32 $0x1, s28;
	s28 =	sadd.s32 $0x5, s28;
	v6 =	vadd.s32 s30, v1;
	v2 =	vmov v14;
	v3 =	vld.idx.msk [tilespmem:v11+s15+$0x0], $0xffff  }
0xe2: {  	_ =	sdelay $0x2  }
0xe3: {  	v7 =	vadd.s32 s29, v1  }
0xe4: {  	v8 =	vld.idx.msk [tilespmem:v5+s16+$0x0], $0xffff  }
0xe5: {  	v61 =	vld.idx.msk [tilespmem:v5+s15+$0x0], $0xffff  }
0xe6: {  	v9 =	vld.idx.msk [tilespmem:v4+s15+$0x0], $0xffff  }
0xe7: {  	v10 =	vld.idx.msk [tilespmem:v6+s15+$0x0], $0xffff  }
0xe8: {  	v11 =	vld.idx.msk [tilespmem:v7+s15+$0x0], $0xffff  }
0xe9: {  	v62 =	vld.idx.msk [tilespmem:v4+s16+$0x0], $0xffff  }
0xea: {  	v63 =	vld.idx.msk [tilespmem:v6+s16+$0x0], $0xffff  }
0xeb: {  	v7 =	vld.idx.msk [tilespmem:v7+s16+$0x0], $0xffff  }
0xec: {  	[tilespmem:v3+s2+$0x0] =	vst.idx.add.f32.msk $0xffff, v2  }
0xed: {  	[tilespmem:v61+s2+$0x0] =	vst.idx.add.f32.msk $0xffff, v8  }
0xee: {  	s26 =	sadd.s32 $0x1, s26;
	[tilespmem:v9+s2+$0x0] =	vst.idx.add.f32.msk $0xffff, v62  }
0xef: {  	p0 =	sne.s32 s26, s14;
	[tilespmem:v10+s2+$0x0] =	vst.idx.add.f32.msk $0xffff, v63  }
.Ltmp6:
0xf0: {  	[tilespmem:v11+s2+$0x0] =	vst.idx.add.f32.msk $0xffff, v7;
	(pc) =	sbr.rel @p0 .LBB2_1-.Ltmp6, $4  }
0xf1: {  	[hbm4b:s13+s23] =	stream.strided.scatter [tilespmem:s2], [sflag:$0x5], $0xC800, s24, s23, $0x38;
	[tilespmem:$0x16600] =	vst v63  }
0xf2: {  	_ =	swait.ge [sflag:s25], $0xC800  }
0xf3: {  	[sflag:s25] =	ssyncset.done $0x0  }
0xf4: {  	[sflag:s25] =	ssyncadd.s32 $0xFFFF3800  }
0xf5: {  	_ =	sfence.sel $0x180000  }
0xf6: {  	[bflag:$0x0] =	sbarrier.arrive $0xFFFF  }
0xf7: {  	p0 =	sne.s32 s0, $0x0;
	_ =	strace $0x90000047  }
0xf8: {  	s0 =	sadd.s32 @!p0 $0x100000, s1;
	[bflag:$0x2] =	sbarrier.arrive $0xFFFF  }
0xf9: {  	[sflag:s0] =	ssyncadd.tile.s32 @!p0 $0x1;
	_ =	shalt  }
.Lfunc_end2:
_tile_overlayer_lowered:
.L_overlay_start_2:
0xfa: {  	(tag) =	ssettag $0x2  }
0xfb: {  	s0 =	rddreg [dreg:$0x0];
	s2 =	stileid.u32  }
0xfc: {  	s1 =	rddreg [dreg:$0x1];
	p0 =	sne.s32 s2, $0x0  }
0xfd: {  	s3 =	rddreg [dreg:$0x2];
	[bflag:$0x3] =	sbarrier.arrive $0xFFFF;
	s2 =	simm.s32 @!p0 $0x1C05  }
0xfe: {  	[timem:s3], [sflag:s2] =	dma.local @!p0 [hbm:s0], s1  }
0xff: {  	s0 =	simm.s32 @!p0 $0x5  }
0x100: {  	_ =	swait.ge @!p0 [sflag:s0], s1  }
0x101: {  	s1 =	ssub.s32 @!p0 $0x0, s1;
	[sflag:s0] =	ssyncset.done @!p0 $0x0  }
0x102: {  	[sflag:s0] =	ssyncadd.s32 @!p0 s1  }
0x103: {  	[bflag:$0x3] =	sbarrier.arrive $0xFFFF  }
0x104: {  	_ =	shalt  }

</sc_bundles>
